<compile_context>
chip_gen: v7x
topology: tpu7x:2x2x1
jax: 0.10.2.dev20260603
libtpu: 0.0.44.dev20260713+nightly
codegen_flags: <defaults>
</compile_context>

<pallas_src>
import functools

import jax
import jax.numpy as jnp
from jax.experimental import pallas as pl
from jax.experimental.pallas import tpu as pltpu

_NUM_CLASSES = 100000
_NUM_SAMPLE = 20000
_BATCH = 1024
_EMBED = 512
_S = 64.0
_COS_M = 0.8775825618903728
_SIN_M = 0.479425538604203
_NEG = -1e30


def _fused_ce_kernel(emb_ref, w_ref, lab_ref, out_ref,
                     nemb_ref, m_ref, s_ref, t_ref,
                     *, blk, n_valid, nsteps):
    j = pl.program_id(0)

    @pl.when(j == 0)
    def _init():
        e = emb_ref[...]
        inv = jax.lax.rsqrt(jnp.sum(e * e, axis=1, keepdims=True))
        nemb_ref[...] = e * inv
        m_ref[...] = jnp.full_like(m_ref, _NEG)
        s_ref[...] = jnp.zeros_like(s_ref)
        t_ref[...] = jnp.zeros_like(t_ref)

    w = w_ref[...]
    winv = jax.lax.rsqrt(jnp.maximum(jnp.sum(w * w, axis=1, keepdims=True),
                                     1e-30))
    nw = w * winv
    cos = jnp.dot(nemb_ref[...], nw.T, preferred_element_type=jnp.float32)
    cos = jnp.clip(cos, -1.0, 1.0)

    col = j * blk + jax.lax.broadcasted_iota(jnp.int32, cos.shape, 1)
    valid = col < n_valid
    is_t = lab_ref[...] == col
    tc = jnp.sum(jnp.where(is_t, cos, 0.0), axis=1, keepdims=True)
    has_t = jnp.sum(is_t.astype(jnp.float32), axis=1, keepdims=True) > 0.0
    tcc = jnp.clip(tc, -1.0 + 1e-7, 1.0 - 1e-7)
    marg = (tcc * _COS_M - jnp.sqrt(1.0 - tcc * tcc) * _SIN_M) * _S
    logits = jnp.where(is_t, marg, cos * _S)
    logits = jnp.where(valid, logits, _NEG)

    m_prev = m_ref[...]
    m_new = jnp.maximum(m_prev, jnp.max(logits, axis=1, keepdims=True))
    s_ref[...] = (s_ref[...] * jnp.exp(m_prev - m_new)
                  + jnp.sum(jnp.exp(logits - m_new), axis=1, keepdims=True))
    m_ref[...] = m_new
    t_ref[...] = t_ref[...] + jnp.where(has_t, marg, 0.0)

    @pl.when(j == nsteps - 1)
    def _fin():
        logprob = t_ref[...] - m_ref[...] - jnp.log(s_ref[...])
        out_ref[...] = -jnp.maximum(logprob, jnp.log(jnp.float32(1e-30)))


def _fused_ce(norm_src_emb, w_act_padded, labels_r, blk, n_valid,
              interpret=False):
    npad = w_act_padded.shape[0]
    nsteps = npad // blk
    out = pl.pallas_call(
        functools.partial(_fused_ce_kernel, blk=blk, n_valid=n_valid,
                          nsteps=nsteps),
        grid=(nsteps,),
        in_specs=[
            pl.BlockSpec((_BATCH, _EMBED), lambda j: (0, 0)),
            pl.BlockSpec((blk, _EMBED), lambda j: (j, 0)),
            pl.BlockSpec((_BATCH, 1), lambda j: (0, 0)),
        ],
        out_specs=pl.BlockSpec((_BATCH, 1), lambda j: (0, 0)),
        out_shape=jax.ShapeDtypeStruct((_BATCH, 1), jnp.float32),
        scratch_shapes=[
            pltpu.VMEM((_BATCH, _EMBED), jnp.float32),
            pltpu.VMEM((_BATCH, 1), jnp.float32),
            pltpu.VMEM((_BATCH, 1), jnp.float32),
            pltpu.VMEM((_BATCH, 1), jnp.float32),
        ],
        interpret=interpret,
    )(norm_src_emb, w_act_padded, labels_r)
    return out


def kernel(local_embeddings, local_labels, weight, perm_rand):
    labels = local_labels.astype(jnp.int32)
    perm = perm_rand.at[labels].set(2.0)
    _, index = jax.lax.top_k(perm, _NUM_SAMPLE)
    index = jnp.sort(index)
    labels_r = jnp.searchsorted(index, labels).astype(jnp.int32)
    w_act = jnp.take(weight, index, axis=0)

    npad = 20480
    w_pad = jnp.pad(w_act, ((0, npad - _NUM_SAMPLE), (0, 0)))
    per_row = _fused_ce(local_embeddings, w_pad,
                        labels_r.reshape(_BATCH, 1), blk=2048,
                        n_valid=_NUM_SAMPLE)
    return jnp.mean(per_row)

# --- scband reference (transcript-rebuilt; emitter-appended) ---
"""Pipeline reference for scband-partial-fcadam-w-61916248539562 (READ-ONLY COPY).

The authoritative reference and input builder live on the scoring server;
editing this copy changes nothing except your own understanding.
"""

import jax, jax.numpy as jnp
import numpy as np

NUM_CLASSES = 100000
EMBED = 512
BATCH = 1024
SAMPLE_RATE = 0.2
NUM_SAMPLE = int(SAMPLE_RATE * NUM_CLASSES)  # 20000
S_SCALE = 64.0
MARGIN = 0.5


def setup_inputs(seed: int = 0) -> dict:
    key = jax.random.key(seed)
    k1, k2, k3, k4 = jax.random.split(key, 4)
    local_embeddings = jax.random.normal(k1, (BATCH, EMBED), dtype=jnp.float32)
    local_labels = jax.random.randint(k2, (BATCH,), 0, NUM_CLASSES)
    # learned class-center weight table (num_local = num_classes since world_size=1)
    weight = 0.01 * jax.random.normal(k3, (NUM_CLASSES, EMBED), dtype=jnp.float32)
    # random permutation scores used by negative-class sampling (torch.rand in sample())
    perm_rand = jax.random.uniform(k4, (NUM_CLASSES,), dtype=jnp.float32)
    return {"local_embeddings": local_embeddings, "local_labels": local_labels,
            "weight": weight, "perm_rand": perm_rand}


def reference(local_embeddings, local_labels, weight, perm_rand):
    # Single-rank (world_size=1) faithful translation of PartialFCAdamW.forward.
    labels = local_labels.astype(jnp.int32)
    # world_size=1 => class_start=0, num_local=NUM_CLASSES, all labels are local/positive.
    # ---- sample(): boost positives, top-k over random perm (topk masking) ----
    perm = perm_rand.at[labels].set(2.0)
    _, index = jax.lax.top_k(perm, NUM_SAMPLE)
    index = jnp.sort(index)
    labels = jnp.searchsorted(index, labels)
    weight_activated = jnp.take(weight, index, axis=0)
    # ---- normalized cosine logits ----
    norm_emb = local_embeddings / jnp.linalg.norm(local_embeddings, axis=1, keepdims=True)
    norm_w = weight_activated / jnp.linalg.norm(weight_activated, axis=1, keepdims=True)
    logits = jnp.clip(norm_emb @ norm_w.T, -1.0, 1.0)
    # ---- margin_softmax: ArcFace (m1=1, m2=0.5, m3=0, s=64) ----
    rows = jnp.arange(BATCH)
    target_logit = logits[rows, labels]
    theta = jnp.arccos(jnp.clip(target_logit, -1.0 + 1e-7, 1.0 - 1e-7))
    target_logit_m = jnp.cos(theta + MARGIN)
    logits = logits.at[rows, labels].set(target_logit_m)
    logits = logits * S_SCALE
    # ---- DistCrossEntropy (single rank: all_reduce is identity) ----
    max_logits = jnp.max(logits, axis=1, keepdims=True)
    exp_logits = jnp.exp(logits - max_logits)
    probs = exp_logits / jnp.sum(exp_logits, axis=1, keepdims=True)
    target_prob = probs[rows, labels]
    loss = -jnp.mean(jnp.log(jnp.clip(target_prob, 1e-30, None)))
    return loss

if __name__ == "__main__":
    import jax
    _d = setup_inputs()
    print(jax.jit(kernel)(*tuple(_d.values())))

</pallas_src>

<mosaic_0001>
module attributes {stable_mosaic.version = 14 : i64} {
  func.func @_fused_ce_kernel(%arg0: i32, %arg1: memref<1024x512xf32, #tpu.memory_space<vmem>>, %arg2: memref<2048x512xf32, #tpu.memory_space<vmem>>, %arg3: memref<1024x1xi32, #tpu.memory_space<vmem>>, %arg4: memref<1024x1xf32, #tpu.memory_space<vmem>>, %arg5: memref<1024x512xf32, #tpu.memory_space<vmem>>, %arg6: memref<1024x1xf32, #tpu.memory_space<vmem>>, %arg7: memref<1024x1xf32, #tpu.memory_space<vmem>>, %arg8: memref<1024x1xf32, #tpu.memory_space<vmem>>) attributes {dimension_semantics = [#tpu.dimension_semantics<arbitrary>], iteration_bounds = array<i64: 10>, scalar_prefetch = 0 : i64, scratch_operands = 4 : i64, tpu.core_type = #tpu.core_type<tc>, window_params = [{pipeline_mode = #tpu.pipeline_mode<synchronous>, transform_indices = @transform_0, window_bounds = array<i64: 1024, 512>}, {transform_indices = @transform_1, window_bounds = array<i64: 2048, 512>}, {pipeline_mode = #tpu.pipeline_mode<synchronous>, transform_indices = @transform_2, window_bounds = array<i64: 1024, 1>}, {pipeline_mode = #tpu.pipeline_mode<synchronous>, transform_indices = @transform_3, window_bounds = array<i64: 1024, 1>}]} {
    %eq3A = arith.constant 0 : i32
    %eq3A_0 = arith.cmpi eq, %arg0, %eq3A : i32
    %convert_element_type3A = arith.extui %eq3A_0 : i1 to i32
    %cond3A = arith.constant 0 : i32
    %cond3A_1 = arith.cmpi ne, %convert_element_type3A, %cond3A : i32
    scf.if %cond3A_1 {
      %get3A_105 = arith.constant 0 : index
      %get3A_106 = arith.constant 0 : index
      %get3A_107 = vector.load %arg1[%get3A_105, %get3A_106] : memref<1024x512xf32, #tpu.memory_space<vmem>>, vector<1024x512xf32>
      %mul3A_108 = arith.mulf %get3A_107, %get3A_107 : vector<1024x512xf32>
      %reduce_sum3A_109 = arith.constant dense<0.000000e+00> : vector<1024xf32>
      %reduce_sum3A_110 = vector.multi_reduction <add>, %mul3A_108, %reduce_sum3A_109 [1] : vector<1024x512xf32> to vector<1024xf32>
      %broadcast_in_dim3A_111 = vector.shape_cast %reduce_sum3A_110 : vector<1024xf32> to vector<1024x1xf32>
      %rsqrt3A_112 = math.rsqrt %broadcast_in_dim3A_111 : vector<1024x1xf32>
      %mul3A_113 = vector.broadcast %rsqrt3A_112 : vector<1024x1xf32> to vector<1024x512xf32>
      %mul3A_114 = arith.mulf %get3A_107, %mul3A_113 : vector<1024x512xf32>
      %swap3A_115 = arith.constant 0 : index
      %swap3A_116 = arith.constant 0 : index
      %swap3A_117 = vector.load %arg5[%swap3A_115, %swap3A_116] : memref<1024x512xf32, #tpu.memory_space<vmem>>, vector<1024x512xf32>
      tpu.vector_store %arg5[%swap3A_115, %swap3A_116], %mul3A_114 {strides = array<i32>} : memref<1024x512xf32, #tpu.memory_space<vmem>>, vector<1024x512xf32>,
      %broadcast_in_dim3A_118 = arith.constant -1.000000e+30 : f32
      %broadcast_in_dim3A_119 = vector.broadcast %broadcast_in_dim3A_118 : f32 to vector<1024x1xf32>
      %swap3A_120 = arith.constant 0 : index
      %swap3A_121 = arith.constant 0 : index
      %swap3A_122 = vector.load %arg6[%swap3A_120, %swap3A_121] : memref<1024x1xf32, #tpu.memory_space<vmem>>, vector<1024x1xf32>
      tpu.vector_store %arg6[%swap3A_120, %swap3A_121], %broadcast_in_dim3A_119 {strides = array<i32>} : memref<1024x1xf32, #tpu.memory_space<vmem>>, vector<1024x1xf32>,
      %broadcast_in_dim3A_123 = arith.constant 0.000000e+00 : f32
      %broadcast_in_dim3A_124 = vector.broadcast %broadcast_in_dim3A_123 : f32 to vector<1024x1xf32>
      %swap3A_125 = arith.constant 0 : index
      %swap3A_126 = arith.constant 0 : index
      %swap3A_127 = vector.load %arg7[%swap3A_125, %swap3A_126] : memref<1024x1xf32, #tpu.memory_space<vmem>>, vector<1024x1xf32>
      tpu.vector_store %arg7[%swap3A_125, %swap3A_126], %broadcast_in_dim3A_124 {strides = array<i32>} : memref<1024x1xf32, #tpu.memory_space<vmem>>, vector<1024x1xf32>,
      %broadcast_in_dim3A_128 = arith.constant 0.000000e+00 : f32
      %broadcast_in_dim3A_129 = vector.broadcast %broadcast_in_dim3A_128 : f32 to vector<1024x1xf32>
      %swap3A_130 = arith.constant 0 : index
      %swap3A_131 = arith.constant 0 : index
      %swap3A_132 = vector.load %arg8[%swap3A_130, %swap3A_131] : memref<1024x1xf32, #tpu.memory_space<vmem>>, vector<1024x1xf32>
      tpu.vector_store %arg8[%swap3A_130, %swap3A_131], %broadcast_in_dim3A_129 {strides = array<i32>} : memref<1024x1xf32, #tpu.memory_space<vmem>>, vector<1024x1xf32>,
    } else {
    }
    %get3A = arith.constant 0 : index
    %get3A_2 = arith.constant 0 : index
    %get3A_3 = vector.load %arg2[%get3A, %get3A_2] : memref<2048x512xf32, #tpu.memory_space<vmem>>, vector<2048x512xf32>
    %mul3A = arith.mulf %get3A_3, %get3A_3 : vector<2048x512xf32>
    %reduce_sum3A = arith.constant dense<0.000000e+00> : vector<2048xf32>
    %reduce_sum3A_4 = vector.multi_reduction <add>, %mul3A, %reduce_sum3A [1] : vector<2048x512xf32> to vector<2048xf32>
    %broadcast_in_dim3A = vector.shape_cast %reduce_sum3A_4 : vector<2048xf32> to vector<2048x1xf32>
    %max3A = arith.constant 1.000000e-30 : f32
    %max3A_5 = vector.broadcast %max3A : f32 to vector<2048x1xf32>
    %max3A_6 = arith.maximumf %broadcast_in_dim3A, %max3A_5 : vector<2048x1xf32>
    %rsqrt3A = math.rsqrt %max3A_6 : vector<2048x1xf32>
    %mul3A_7 = vector.broadcast %rsqrt3A : vector<2048x1xf32> to vector<2048x512xf32>
    %mul3A_8 = arith.mulf %get3A_3, %mul3A_7 : vector<2048x512xf32>
    %get3A_9 = arith.constant 0 : index
    %get3A_10 = arith.constant 0 : index
    %get3A_11 = vector.load %arg5[%get3A_9, %get3A_10] : memref<1024x512xf32, #tpu.memory_space<vmem>>, vector<1024x512xf32>
    %transpose3A = tpu.transpose %mul3A_8, [1, 0] : vector<2048x512xf32> -> vector<512x2048xf32>
    %dot_general3A = arith.constant dense<0.000000e+00> : vector<1024x2048xf32>
    %dot_general3A_12 = tpu.matmul %get3A_11, %transpose3A, %dot_general3A {dimension_numbers = #tpu.dot_dimension_numbers<[1], [0], [0], [1], [0, 0, 1, 1], [], []>, transpose_lhs_hint = false} : vector<1024x512xf32>, vector<512x2048xf32>, vector<1024x2048xf32> -> vector<1024x2048xf32>
    %jit3A = arith.constant -1.000000e+00 : f32
    %jit3A_13 = arith.constant 1.000000e+00 : f32
    %max3A_14 = vector.broadcast %jit3A : f32 to vector<1024x2048xf32>
    %max3A_15 = arith.maximumf %max3A_14, %dot_general3A_12 : vector<1024x2048xf32>
    %min3A = vector.broadcast %jit3A_13 : f32 to vector<1024x2048xf32>
    %min3A_16 = arith.minimumf %min3A, %max3A_15 : vector<1024x2048xf32>
    %mul3A_17 = arith.constant 2048 : i32
    %mul3A_18 = arith.muli %arg0, %mul3A_17 : i32
    %iota3A = tpu.iota {dimensions = array<i32: 1>} : vector<1024x2048xi32>
    %add3A = vector.broadcast %mul3A_18 : i32 to vector<1024x2048xi32>
    %add3A_19 = arith.addi %add3A, %iota3A : vector<1024x2048xi32>
    %lt3A = arith.constant 20000 : i32
    %lt3A_20 = vector.broadcast %lt3A : i32 to vector<1024x2048xi32>
    %lt3A_21 = arith.cmpi slt, %add3A_19, %lt3A_20 : vector<1024x2048xi32>
    %get3A_22 = arith.constant 0 : index
    %get3A_23 = arith.constant 0 : index
    %get3A_24 = vector.load %arg3[%get3A_22, %get3A_23] : memref<1024x1xi32, #tpu.memory_space<vmem>>, vector<1024x1xi32>
    %eq3A_25 = vector.broadcast %get3A_24 : vector<1024x1xi32> to vector<1024x2048xi32>
    %eq3A_26 = arith.cmpi eq, %eq3A_25, %add3A_19 : vector<1024x2048xi32>
    %jit3A_27 = arith.constant 0.000000e+00 : f32
    %broadcast_in_dim3A_28 = vector.broadcast %jit3A_27 : f32 to vector<1024x2048xf32>
    %select_n3A = arith.select %eq3A_26, %min3A_16, %broadcast_in_dim3A_28 : vector<1024x2048xi1>, vector<1024x2048xf32>
    %reduce_sum3A_29 = arith.constant dense<0.000000e+00> : vector<1024xf32>
    %reduce_sum3A_30 = vector.multi_reduction <add>, %select_n3A, %reduce_sum3A_29 [1] : vector<1024x2048xf32> to vector<1024xf32>
    %broadcast_in_dim3A_31 = vector.shape_cast %reduce_sum3A_30 : vector<1024xf32> to vector<1024x1xf32>
    %convert_element_type3A_32 = arith.extui %eq3A_26 : vector<1024x2048xi1> to vector<1024x2048xi32>
    %convert_element_type3A_33 = arith.sitofp %convert_element_type3A_32 : vector<1024x2048xi32> to vector<1024x2048xf32>
    %reduce_sum3A_34 = arith.constant dense<0.000000e+00> : vector<1024xf32>
    %reduce_sum3A_35 = vector.multi_reduction <add>, %convert_element_type3A_33, %reduce_sum3A_34 [1] : vector<1024x2048xf32> to vector<1024xf32>
    %broadcast_in_dim3A_36 = vector.shape_cast %reduce_sum3A_35 : vector<1024xf32> to vector<1024x1xf32>
    %gt3A = arith.constant 0.000000e+00 : f32
    %gt3A_37 = vector.broadcast %gt3A : f32 to vector<1024x1xf32>
    %gt3A_38 = arith.cmpf ogt, %broadcast_in_dim3A_36, %gt3A_37 : vector<1024x1xf32>
    %jit3A_39 = arith.constant -0.99999988 : f32
    %jit3A_40 = arith.constant 0.99999988 : f32
    %max3A_41 = vector.broadcast %jit3A_39 : f32 to vector<1024x1xf32>
    %max3A_42 = arith.maximumf %max3A_41, %broadcast_in_dim3A_31 : vector<1024x1xf32>
    %min3A_43 = vector.broadcast %jit3A_40 : f32 to vector<1024x1xf32>
    %min3A_44 = arith.minimumf %min3A_43, %max3A_42 : vector<1024x1xf32>
    %mul3A_45 = arith.constant 0.87758255 : f32
    %mul3A_46 = vector.broadcast %mul3A_45 : f32 to vector<1024x1xf32>
    %mul3A_47 = arith.mulf %min3A_44, %mul3A_46 : vector<1024x1xf32>
    %mul3A_48 = arith.mulf %min3A_44, %min3A_44 : vector<1024x1xf32>
    %sub3A = arith.constant 1.000000e+00 : f32
    %sub3A_49 = vector.broadcast %sub3A : f32 to vector<1024x1xf32>
    %sub3A_50 = arith.subf %sub3A_49, %mul3A_48 : vector<1024x1xf32>
    %sqrt3A = math.sqrt %sub3A_50 : vector<1024x1xf32>
    %mul3A_51 = arith.constant 0.47942555 : f32
    %mul3A_52 = vector.broadcast %mul3A_51 : f32 to vector<1024x1xf32>
    %mul3A_53 = arith.mulf %sqrt3A, %mul3A_52 : vector<1024x1xf32>
    %sub3A_54 = arith.subf %mul3A_47, %mul3A_53 : vector<1024x1xf32>
    %mul3A_55 = arith.constant 6.400000e+01 : f32
    %mul3A_56 = vector.broadcast %mul3A_55 : f32 to vector<1024x1xf32>
    %mul3A_57 = arith.mulf %sub3A_54, %mul3A_56 : vector<1024x1xf32>
    %mul3A_58 = arith.constant 6.400000e+01 : f32
    %mul3A_59 = vector.broadcast %mul3A_58 : f32 to vector<1024x2048xf32>
    %mul3A_60 = arith.mulf %min3A_16, %mul3A_59 : vector<1024x2048xf32>
    %broadcast_in_dim3A_61 = vector.shape_cast %mul3A_57 : vector<1024x1xf32> to vector<1024x1xf32>
    %broadcast_in_dim3A_62 = vector.broadcast %broadcast_in_dim3A_61 : vector<1024x1xf32> to vector<1024x2048xf32>
    %select_n3A_63 = arith.select %eq3A_26, %broadcast_in_dim3A_62, %mul3A_60 : vector<1024x2048xi1>, vector<1024x2048xf32>
    %jit3A_64 = arith.constant -1.000000e+30 : f32
    %broadcast_in_dim3A_65 = vector.broadcast %jit3A_64 : f32 to vector<1024x2048xf32>
    %select_n3A_66 = arith.select %lt3A_21, %select_n3A_63, %broadcast_in_dim3A_65 : vector<1024x2048xi1>, vector<1024x2048xf32>
    %get3A_67 = arith.constant 0 : index
    %get3A_68 = arith.constant 0 : index
    %get3A_69 = vector.load %arg6[%get3A_67, %get3A_68] : memref<1024x1xf32, #tpu.memory_space<vmem>>, vector<1024x1xf32>
    %reduce_max3A = arith.constant dense<0xFF800000> : vector<1024xf32>
    %reduce_max3A_70 = vector.multi_reduction <maximumf>, %select_n3A_66, %reduce_max3A [1] : vector<1024x2048xf32> to vector<1024xf32>
    %broadcast_in_dim3A_71 = vector.shape_cast %reduce_max3A_70 : vector<1024xf32> to vector<1024x1xf32>
    %max3A_72 = arith.maximumf %get3A_69, %broadcast_in_dim3A_71 : vector<1024x1xf32>
    %get3A_73 = arith.constant 0 : index
    %get3A_74 = arith.constant 0 : index
    %get3A_75 = vector.load %arg7[%get3A_73, %get3A_74] : memref<1024x1xf32, #tpu.memory_space<vmem>>, vector<1024x1xf32>
    %sub3A_76 = arith.subf %get3A_69, %max3A_72 : vector<1024x1xf32>
    %exp3A = math.exp %sub3A_76 : vector<1024x1xf32>
    %mul3A_77 = arith.mulf %get3A_75, %exp3A : vector<1024x1xf32>
    %sub3A_78 = vector.broadcast %max3A_72 : vector<1024x1xf32> to vector<1024x2048xf32>
    %sub3A_79 = arith.subf %select_n3A_66, %sub3A_78 : vector<1024x2048xf32>
    %exp3A_80 = math.exp %sub3A_79 : vector<1024x2048xf32>
    %reduce_sum3A_81 = arith.constant dense<0.000000e+00> : vector<1024xf32>
    %reduce_sum3A_82 = vector.multi_reduction <add>, %exp3A_80, %reduce_sum3A_81 [1] : vector<1024x2048xf32> to vector<1024xf32>
    %broadcast_in_dim3A_83 = vector.shape_cast %reduce_sum3A_82 : vector<1024xf32> to vector<1024x1xf32>
    %add3A_84 = arith.addf %mul3A_77, %broadcast_in_dim3A_83 : vector<1024x1xf32>
    %swap3A = arith.constant 0 : index
    %swap3A_85 = arith.constant 0 : index
    %swap3A_86 = vector.load %arg7[%swap3A, %swap3A_85] : memref<1024x1xf32, #tpu.memory_space<vmem>>, vector<1024x1xf32>
    tpu.vector_store %arg7[%swap3A, %swap3A_85], %add3A_84 {strides = array<i32>} : memref<1024x1xf32, #tpu.memory_space<vmem>>, vector<1024x1xf32>,
    %swap3A_87 = arith.constant 0 : index
    %swap3A_88 = arith.constant 0 : index
    %swap3A_89 = vector.load %arg6[%swap3A_87, %swap3A_88] : memref<1024x1xf32, #tpu.memory_space<vmem>>, vector<1024x1xf32>
    tpu.vector_store %arg6[%swap3A_87, %swap3A_88], %max3A_72 {strides = array<i32>} : memref<1024x1xf32, #tpu.memory_space<vmem>>, vector<1024x1xf32>,
    %get3A_90 = arith.constant 0 : index
    %get3A_91 = arith.constant 0 : index
    %get3A_92 = vector.load %arg8[%get3A_90, %get3A_91] : memref<1024x1xf32, #tpu.memory_space<vmem>>, vector<1024x1xf32>
    %jit3A_93 = arith.constant 0.000000e+00 : f32
    %broadcast_in_dim3A_94 = vector.broadcast %jit3A_93 : f32 to vector<1024x1xf32>
    %select_n3A_95 = arith.select %gt3A_38, %mul3A_57, %broadcast_in_dim3A_94 : vector<1024x1xi1>, vector<1024x1xf32>
    %add3A_96 = arith.addf %get3A_92, %select_n3A_95 : vector<1024x1xf32>
    %swap3A_97 = arith.constant 0 : index
    %swap3A_98 = arith.constant 0 : index
    %swap3A_99 = vector.load %arg8[%swap3A_97, %swap3A_98] : memref<1024x1xf32, #tpu.memory_space<vmem>>, vector<1024x1xf32>
    tpu.vector_store %arg8[%swap3A_97, %swap3A_98], %add3A_96 {strides = array<i32>} : memref<1024x1xf32, #tpu.memory_space<vmem>>, vector<1024x1xf32>,
    %eq3A_100 = arith.constant 9 : i32
    %eq3A_101 = arith.cmpi eq, %arg0, %eq3A_100 : i32
    %convert_element_type3A_102 = arith.extui %eq3A_101 : i1 to i32
    %cond3A_103 = arith.constant 0 : i32
    %cond3A_104 = arith.cmpi ne, %convert_element_type3A_102, %cond3A_103 : i32
    scf.if %cond3A_104 {
      %get3A_105 = arith.constant 0 : index
      %get3A_106 = arith.constant 0 : index
      %get3A_107 = vector.load %arg8[%get3A_105, %get3A_106] : memref<1024x1xf32, #tpu.memory_space<vmem>>, vector<1024x1xf32>
      %get3A_108 = arith.constant 0 : index
      %get3A_109 = arith.constant 0 : index
      %get3A_110 = vector.load %arg6[%get3A_108, %get3A_109] : memref<1024x1xf32, #tpu.memory_space<vmem>>, vector<1024x1xf32>
      %sub3A_111 = arith.subf %get3A_107, %get3A_110 : vector<1024x1xf32>
      %get3A_112 = arith.constant 0 : index
      %get3A_113 = arith.constant 0 : index
      %get3A_114 = vector.load %arg7[%get3A_112, %get3A_113] : memref<1024x1xf32, #tpu.memory_space<vmem>>, vector<1024x1xf32>
      %log3A = math.log %get3A_114 : vector<1024x1xf32>
      %sub3A_115 = arith.subf %sub3A_111, %log3A : vector<1024x1xf32>
      %log3A_116 = arith.constant 1.000000e-30 : f32
      %log3A_117 = math.log %log3A_116 : f32
      %max3A_118 = vector.broadcast %log3A_117 : f32 to vector<1024x1xf32>
      %max3A_119 = arith.maximumf %sub3A_115, %max3A_118 : vector<1024x1xf32>
      %neg3A = arith.constant 0.000000e+00 : f32
      %neg3A_120 = vector.broadcast %neg3A : f32 to vector<1024x1xf32>
      %neg3A_121 = arith.subf %neg3A_120, %max3A_119 : vector<1024x1xf32>
      %swap3A_122 = arith.constant 0 : index
      %swap3A_123 = arith.constant 0 : index
      %swap3A_124 = vector.load %arg4[%swap3A_122, %swap3A_123] : memref<1024x1xf32, #tpu.memory_space<vmem>>, vector<1024x1xf32>
      tpu.vector_store %arg4[%swap3A_122, %swap3A_123], %neg3A_121 {strides = array<i32>} : memref<1024x1xf32, #tpu.memory_space<vmem>>, vector<1024x1xf32>,
    } else {
    }
    return
  }
  func.func @transform_0(%arg0: i32) -> (i32, i32) {
    %c0_i32 = arith.constant 0 : i32
    %c0_i32_0 = arith.constant 0 : i32
    %c0_i32_1 = arith.constant 0 : i32
    return %c0_i32, %c0_i32_0 : i32, i32
  }
  func.func @transform_1(%arg0: i32) -> (i32, i32) {
    %c0_i32 = arith.constant 0 : i32
    %c0_i32_0 = arith.constant 0 : i32
    return %arg0, %c0_i32 : i32, i32
  }
  func.func @transform_2(%arg0: i32) -> (i32, i32) {
    %c0_i32 = arith.constant 0 : i32
    %c0_i32_0 = arith.constant 0 : i32
    %c0_i32_1 = arith.constant 0 : i32
    return %c0_i32, %c0_i32_0 : i32, i32
  }
  func.func @transform_3(%arg0: i32) -> (i32, i32) {
    %c0_i32 = arith.constant 0 : i32
    %c0_i32_0 = arith.constant 0 : i32
    %c0_i32_1 = arith.constant 0 : i32
    return %c0_i32, %c0_i32_0 : i32, i32
  }
}

</mosaic_0001>

<sc_bundles>
// kernel: gather_offload_async_start
scs
__scs_entry_jumppad:
0x0: {  	(pc) =	sbr.rel $0x88, $3  }
0x1: {  	(tag) =	ssettag $0x0;
	lr =	simm.s32 $0x1  }
0x2: {  	[smem:$0x3F9D] =	sst lr;
	_ =	strace $0xD0000000  }
0x3: {  	_ = 	snop  }
0x4: {  	_ = 	snop  }
0x5: {  	_ = 	snop  }
0x6: {  	_ = 	snop  }
0x7: {  	_ = 	snop  }
__scs_overlays_trampoline_lowered:
0x8: {  	[smem:$0x3FAC] =	sst s0  }
0x9: {  	[smem:$0x3FAD] =	sst s1  }
0xa: {  	[smem:$0x3FAE] =	sst s2  }
0xb: {  	[smem:$0x3FAF] =	sst s3  }
0xc: {  	[smem:$0x3FB0] =	sst s4  }
0xd: {  	[smem:$0x3FB1] =	sst s5  }
0xe: {  	[smem:$0x3FB2] =	sst s6  }
0xf: {  	[smem:$0x3FB3] =	sst s7  }
0x10: {  	[smem:$0x3FB4] =	sst s8  }
0x11: {  	[smem:$0x3FB5] =	sst s9;
	s0 =	simm.s32 @!p0 $0x0  }
0x12: {  	s1 =	sld [smem:$0x3F9B];
	s0 =	simm.s32 @p0 $0x1  }
0x13: {  	[smem:$0x3FB6] =	sst s0;
	s0 =	simm.s32 @!p1 $0x0  }
0x14: {  	s2 =	sld [smem:$0x3F9A];
	s0 =	simm.s32 @p1 $0x1  }
0x15: {  	[smem:$0x3FB7] =	sst s0;
	s0 =	simm.s32 @!p2 $0x0  }
0x16: {  	s3 =	sld [smem:$0x3FDB];
	s0 =	simm.s32 @p2 $0x1  }
0x17: {  	s4 =	simm.s32 $0x1BF5;
	[smem:$0x3FB9] =	sst s0  }
0x18: {  	s0 =	sld [smem:$0x3F9C];
	_ =	swait.ge [sflag:s4], $0x0  }
0x19: {  	s7 =	sld [smem:$0x3F9D]  }
0x1a: {  	s8 =	sadd.s32 $0xFFFFE003, lr  }
0x1b: {  	s9 =	sadd.s32 $0xFFFFFEF7, lr;
	s5 =	simm.s32 $0xFFFFFFFF;
	p2 =	slt.u32 s8, $0xFFFFF086  }
0x1c: {  	p1 =	slt.u32 s9, $0xF7A;
	s5 =	simm.s32 @!p2 $0x0  }
0x1d: {  	s5 =	simm.s32 @p1 $0x1;
	p0 =	seq.s32 s7, s2  }
0x1e: {  	s7 =	smul.u32 @!p0 $0xF7A, s2;
	p2 =	seq.s32 @!p0 s5, $0x0  }
0x1f: {  	s9 =	smul.u32 $0xF7A, s1;
	s8 =	simm.s32 @!p0 $0x1BF5;
	p2 =	por !p2, p0  }
0x20: {  	[sflag:s8] =	ssyncset.s32 @!p0 $0xFFFFF086;
	s6 =	sadd.s32 @!p0 s3, s7;
	s7 =	simm.s32 @!p0 $0x108  }
0x21: {  	s3 =	sadd.s32 s3, s9;
	s6 =	sadd.s32 @!p0 $0x88, s6;
	s7 =	simm.s32 @p2 $0x1082  }
0x22: {  	[simem:s7], [sflag:s8] =	dma.local @!p0 [hbm:s6], $0xF7A  }
0x23: {  	s9 =	sor.u32 $0xD0000000, s2;
	s6 =	simm.s32 $0x108;
	_ =	swait.ge @!p0 [sflag:s8], $0x0  }
0x24: {  	s3 =	sadd.s32 $0x88, s3;
	s6 =	simm.s32 @!p1 $0x1082;
	[sflag:s4] =	ssyncset.s32 $0xFFFFF086  }
0x25: {  	[simem:s6], [sflag:s4] =	dma.local [hbm:s3], $0xF7A  }
0x26: {  	[smem:$0x3F9D] =	sst s1;
	(tag) =	ssettag s2;
	_ =	strace s9  }
0x27: {  	s1 =	sld [smem:$0x3FAD]  }
0x28: {  	s2 =	sld [smem:$0x3FAE]  }
0x29: {  	s4 =	sld [smem:$0x3FB0]  }
0x2a: {  	p0 =	seq.s32 s5, $0x0;
	s5 =	sld [smem:$0x3FB1]  }
0x2b: {  	s6 =	sld [smem:$0x3FB2]  }
0x2c: {  	s7 =	sld [smem:$0x3FB3]  }
0x2d: {  	s3 =	simm.s32 $0x108;
	s8 =	sld [smem:$0x3FB4]  }
0x2e: {  	s3 =	simm.s32 @!p0 $0x1082;
	s9 =	sld [smem:$0x3FB5]  }
0x2f: {  	lr =	sadd.s32 s0, s3;
	s0 =	sld [smem:$0x3FAC]  }
0x30: {  	s3 =	sld [smem:$0x3FAF]  }
0x31: {  	[smem:$0x3FB8] =	sst s10  }
0x32: {  	s10 =	sld [smem:$0x3FB6];
	_ =	sdelay $0x3  }
0x33: {  	p0 =	seq.s32 s10, $0x1;
	s10 =	sld [smem:$0x3FB8];
	_ =	sdelay $0x3  }
0x34: {  	[smem:$0x3FB8] =	sst s10  }
0x35: {  	s10 =	sld [smem:$0x3FB7];
	_ =	sdelay $0x3  }
0x36: {  	p1 =	seq.s32 s10, $0x1;
	s10 =	sld [smem:$0x3FB8];
	_ =	sdelay $0x3  }
0x37: {  	[smem:$0x3FB8] =	sst s10  }
0x38: {  	s10 =	sld [smem:$0x3FB9]  }
0x39: {  	_ = 	snop;
	(pc) =	sbr.ind lr, $3  }
0x3a: {  	_ = 	snop  }
0x3b: {  	_ = 	snop  }
0x3c: {  	p2 =	seq.s32 s10, $0x1;
	s10 =	sld [smem:$0x3FB8]  }
0x3d: {  	_ =	shalt  }
0x3e: {  	_ =	shalt  }
0x3f: {  	_ =	shalt  }
0x40: {  	_ =	shalt  }
0x41: {  	_ =	shalt  }
0x42: {  	_ =	shalt  }
0x43: {  	_ =	shalt  }
0x44: {  	_ =	shalt  }
0x45: {  	_ =	shalt  }
0x46: {  	_ =	shalt  }
0x47: {  	_ =	shalt  }
0x48: {  	_ =	shalt  }
0x49: {  	_ =	shalt  }
0x4a: {  	_ =	shalt  }
0x4b: {  	_ =	shalt  }
0x4c: {  	_ =	shalt  }
0x4d: {  	_ =	shalt  }
0x4e: {  	_ =	shalt  }
0x4f: {  	_ =	shalt  }
0x50: {  	_ =	shalt  }
0x51: {  	_ =	shalt  }
0x52: {  	_ =	shalt  }
0x53: {  	_ =	shalt  }
0x54: {  	_ =	shalt  }
0x55: {  	_ =	shalt  }
0x56: {  	_ =	shalt  }
0x57: {  	_ =	shalt  }
0x58: {  	_ =	shalt  }
0x59: {  	_ =	shalt  }
0x5a: {  	_ =	shalt  }
0x5b: {  	_ =	shalt  }
0x5c: {  	_ =	shalt  }
0x5d: {  	_ =	shalt  }
0x5e: {  	_ =	shalt  }
0x5f: {  	_ =	shalt  }
0x60: {  	_ =	shalt  }
0x61: {  	_ =	shalt  }
0x62: {  	_ =	shalt  }
0x63: {  	_ =	shalt  }
0x64: {  	_ =	shalt  }
0x65: {  	_ =	shalt  }
0x66: {  	_ =	shalt  }
0x67: {  	_ =	shalt  }
0x68: {  	_ =	shalt  }
0x69: {  	_ =	shalt  }
0x6a: {  	_ =	shalt  }
0x6b: {  	_ =	shalt  }
0x6c: {  	_ =	shalt  }
0x6d: {  	_ =	shalt  }
0x6e: {  	_ =	shalt  }
0x6f: {  	_ =	shalt  }
0x70: {  	_ =	shalt  }
0x71: {  	_ =	shalt  }
0x72: {  	_ =	shalt  }
0x73: {  	_ =	shalt  }
0x74: {  	_ =	shalt  }
0x75: {  	_ =	shalt  }
0x76: {  	_ =	shalt  }
0x77: {  	_ =	shalt  }
0x78: {  	_ =	shalt  }
0x79: {  	_ =	shalt  }
0x7a: {  	_ =	shalt  }
0x7b: {  	_ =	shalt  }
0x7c: {  	_ =	shalt  }
0x7d: {  	_ =	shalt  }
0x7e: {  	_ =	shalt  }
0x7f: {  	_ =	shalt  }
0x80: {  	_ =	shalt  }
0x81: {  	_ =	shalt  }
0x82: {  	_ =	shalt  }
0x83: {  	_ =	shalt  }
0x84: {  	_ =	shalt  }
0x85: {  	_ =	shalt  }
0x86: {  	_ =	shalt  }
0x87: {  	_ =	shalt  }
.Lfunc_end0:
.L_simem_size_0:
called_computation_lowered:
.L_overlay_start_0:
0x88: {  	s2 =	sld [smem:$0x3FD9]  }
0x89: {  	s3 =	sld [smem:$0x3FFE];
	_ =	sdelay $0x1  }
0x8a: {  	s1 =	srdreg.scid  }
0x8b: {  	s0 =	sand.u32 $0x1, s1  }
0x8c: {  	s17 =	sshll.u32 s0, $0xA;
	s2 =	sadd.s32 s3, s2  }
0x8d: {  	s2 =	sadd.s32 s2, s17  }
0x8e: {  	[smem:$0x3FC4] =	sst s2  }
0x8f: {  	_ = 	snop  }
0x90: {  	s2 =	sld [smem:$0x3FC7];
	(tm) =	ssettm $0x1  }
0x91: {  	s18 =	sld [smem:$0x3FFB];
	_ =	sdelay $0x3  }
0x92: {  	_ =	strace s18  }
0x93: {  	s3 =	sld [smem:$0x3FFC];
	_ =	sdelay $0x3  }
0x94: {  	_ =	strace s3  }
0x95: {  	s3 =	sld [smem:$0x3FFD];
	_ =	sdelay $0x3  }
0x96: {  	_ =	strace s3  }
0x97: {  	_ =	strace $0x8FFFFFFF  }
0x98: {  	s19 =	sld [smem:$0x3FDB];
	_ =	sdelay $0x1  }
0x99: {  	s4 =	simm.s32 $_scs_section_size  }
0x9a: {  	s5 =	simm.s32 $_size__tile_overlayer_lowered;
	s6 =	simm.s32 $_tile_overlayer_lowered  }
0x9b: {  	s22 =	simm.s32 $0x1BFF;
	s21 =	sshll.u32 s6, $0x1;
	s3 =	sadd.s32 s4, s19  }
0x9c: {  	s7 =	simm.s32 $0x0;
	s20 =	sshll.u32 s5, $0x1;
	s5 =	sadd.s32 s21, s3  }
0x9d: {  	[timem:s7], [sflag:s22] =	dma.local [hbm:s5], s20  }
0x9e: {  	_ =	swait.ge [sflag:s22], s20  }
0x9f: {  	s4 =	ssub.s32 $0x0, s20;
	[sflag:s22] =	ssyncset.done $0x0  }
0xa0: {  	[sflag:s22] =	ssyncadd.s32 s4;
	_ =	sdelay $0x1  }
0xa1: {  	s23 =	simm.s32 $0x1B8B  }
0xa2: {  	_ =	swait.ge [sflag:s23], $0x1  }
0xa3: {  	[sflag:s23] =	ssyncset.done $0x0  }
0xa4: {  	s25 =	simm.s32 $0x1B8E;
	s24 =	sld [smem:$0x3FFE];
	[sflag:s23] =	ssyncadd.s32 $0xFFFFFFFF  }
0xa5: {  	s26 =	simm.s32 $execute0_lowered;
	[smem:$0x3FD2] =	sst s25  }
0xa6: {  	s5 =	sshll.u32 s26, $0x1;
	_ =	strace $0x80000046;
	[dreg:$0x1] =	wrdreg $0xFFFFFFFF  }
0xa7: {  	s28 =	simm.s32 $_size_execute0_lowered;
	s3 =	sadd.s32 s3, s5;
	[dreg:$0x0] =	wrdreg $0x0  }
0xa8: {  	s5 =	sshll.u32 s28, $0x1;
	[dreg:$0x2] =	wrdreg s3  }
0xa9: {  	[dreg:$0x3] =	wrdreg s5  }
0xaa: {  	[dreg:$0x4] =	wrdreg $0xC0  }
0xab: {  	_ =	task [dreg:s7], $0x5FFFF  }
0xac: {  	[dreg:$0x1] =	wrdreg $0xFFFFFFFF  }
0xad: {  	[dreg:$0x0] =	wrdreg $0x60  }
0xae: {  	[dreg:$0x2] =	wrdreg s2  }
0xaf: {  	[dreg:$0x3] =	wrdreg s24  }
0xb0: {  	[dreg:$0x4] =	wrdreg $0x9  }
0xb1: {  	_ =	task.clear_ibuf [dreg:s7], $0x5FFFF;
	_ =	strace $0x90000046  }
0xb2: {  	s29 =	simm.s32 $0x9;
	_ =	strace $0x80000048  }
0xb3: {  	_ =	swait.ge [sflag:s29], $0x1  }
0xb4: {  	[sflag:s29] =	ssyncadd.s32 $0xFFFFFFFF  }
0xb5: {  	_ =	strace $0x90000048  }
0xb6: {  	_ =	sfence  }
0xb7: {  	s30 =	sld [smem:$0x0];
	_ =	sdelay $0x2  }
0xb8: {  	s31 =	sshll.u32 s1, $0xD;
	s1 =	sshrl.u32 s1, $0x2  }
0xb9: {  	s3 =	sand.u32 $0x4000, s31;
	s1 =	sadd.s32 s1, s30  }
0xba: {  	s0 =	sor.u32 s3, s0;
	s1 =	sshll.u32 s1, $0x11  }
0xbb: {  	s0 =	sor.u32 s1, s0  }
0xbc: {  	s0 =	sadd.s32 $0x8F2B, s0  }
0xbd: {  	[sflag:s0] =	ssyncadd.remote.s32 $0x1  }
0xbe: {  	_ =	sfence.sel $0xFFFF  }
0xbf: {  	[dreg:$0x0] =	wrdreg $0xFFFFFFFF;
	(pc) =	sbr.abs _section_cstart, $3  }
0xc0: {  	[dreg:$0x1] =	wrdreg $0xFFFFFFFF  }
0xc1: {  	_ =	task.clear_ibuf [dreg:s7], $0x2FFFF;
	_ =	strace $0x9FFFFFFF  }
0xc2: {  	(tm) =	ssettm $0x7FFFFFFF  }
0xc3: {  	_ =	shalt  }
tec
execute0_lowered:
.L_overlay_start_1:
0x0: {  	(tag) =	ssettag $0x1  }
0x1: {  	s0 =	srdreg.scid  }
0x2: {  	s1 =	sshll.u32 s0, $0x4  }
0x3: {  	s0 =	stileid.u32;
	s1 =	sand.u32 $0x10, s1  }
0x4: {  	s2 =	sor.u32 s0, s1  }
0x5: {  	s1 =	smul.u32 $0x7, s2  }
0x6: {  	s3 =	smin.u32 s2, $0x1A  }
0x7: {  	s1 =	sadd.s32 s3, s1  }
0x8: {  	p0 =	slt.u32 s2, $0x1A;
	s2 =	simm.s32 $0x280;
	s1 =	smul.u32 $0x50, s1  }
0x9: {  	s2 =	simm.s32 @!p0 $0x230  }
0xa: {  	s2 =	sadd.s32 s2, s1  }
0xb: {  	s3 =	smin.u32 s2, $0x4E20  }
0xc: {  	s7 =	ssub.s32 s3, s1  }
0xd: {  	p0 =	sgt.s32 s7, $0x0  }
0xe: {  	s7 =	simm.s32 @!p0 $0x0  }
0xf: {  	s4 =	rddreg [dreg:$0x0];
	s31 =	smul.u32 $0xCCCD, s7  }
0x10: {  	s9 =	rddreg [dreg:$0x1];
	s6 =	simm.s32 $0x1  }
0x11: {  	s11 =	simm.s32 $0x3;
	s13 =	simm.s32 $0x0;
	s8 =	sshrl.u32 s31, $0x16  }
0x12: {  	s12 =	simm.s32 $0x0;
	s5 =	sadd.s32 $0xE00, s9;
	s10 =	smul.u32 $0x50, s8  }
.Ltmp0:
0x13: {  	s9 =	sadd.s32 $0x1800, s9;
	s2 =	rddreg [dreg:$0x2];
	(pc) =	sbr.rel .LBB2_1-.Ltmp0, $4  }
0x14: {  	_ =	strace $0x80000047;
	p0 =	sne.s32 s7, s10;
	s10 =	simm.s32 $0x1  }
0x15: {  	[sflag:s6] =	ssyncpa.u1 $0x0;
	s7 =	simm.s32 $0x2;
	s10 =	simm.s32 @!p0 $0x0  }
0x16: {  	[sflag:s7] =	ssyncpa.u1 $0x0;
	p0 =	por $0x0, $0x0;
	s8 =	sadd.s32 s8, s10  }
0x17: {  	vm0 =	vmmov $0xff;
	vm1 =	vcmask $0x3F20;
	[sflag:s11] =	ssyncpa.u1 $0x0;
	s11 =	smov.u32 s1;
	s10 =	sadd.s32 $0x1, s8  }
.LBB2_9:
0x18: {  	s13 =	sadd.s32 $0x50, s11  }
0x19: {  	s15 =	smov.u32 s1;
	p2 =	slt.s32 s13, s3  }
0x1a: {  	s15 =	smov.u32 @p2 s13;
	p2 =	sne.s32 s12, s10  }
.Ltmp1:
0x1b: {  	p1 =	slt.u32 s12, $0x2;
	(pc) =	sbr.rel @!p2 .LBB2_10-.Ltmp1, $4  }
0x1c: {  	s14 =	simm.s32 @!p1 $0x3  }
0x1d: {  	s16 =	sadd.s32 $0x1, s12;
	_ =	swait.ge @!p1 [sflag:s14], $0xA000  }
0x1e: {  	p0 =	por !p0, !p0;
	s13 =	smov.u32 s11;
	[sflag:s14] =	ssyncset.done @!p1 $0x0  }
0x1f: {  	s12 =	smov.u32 s16;
	s11 =	smov.u32 s15;
	[sflag:s14] =	ssyncadd.s32 @!p1 $0xFFFF6000  }
.LBB2_1:
0x20: {  	p1 =	sge.u32 s12, s8  }
0x21: {  	s14 =	sxor.u32 @!p1 $0xFFFFFFFF, s12  }
0x22: {  	s14 =	sand.u32 @!p1 $0x1, s14  }
0x23: {  	s14 =	smul.u32 @!p1 $0x140, s14  }
0x24: {  	s31 =	sadd.s32 $0xFFFFFFFF, s12;
	s15 =	sshrl.u32 @!p1 s11, $0x3  }
0x25: {  	s16 =	sand.u32 @!p1 $0x7, s11;
	s15 =	sadd.s32 @!p1 s5, s15;
	s14 =	sshrl.u32 @!p1 s14, $0x2  }
0x26: {  	[tilespmem:s14], [sflag:$0x2] =	stream.linear.gather @!p1 [hbm4b:s15+s16], $0x50, $0x38;
	[tilespmem:$0x140A0] =	vst v63  }
0x27: {  	p1 =	sge.u32 s31, s8  }
.Ltmp2:
0x28: {  	_ = 	snop;
	(pc) =	sbr.rel @p1 .LBB2_9-.Ltmp2, $1  }
0x29: {  	_ =	sdelay $0x3  }
0x2a: {  	s14 =	simm.s32 $0x1  }
0x2b: {  	s14 =	simm.s32 @!p0 $0x0  }
0x2c: {  	s14 =	smul.u32 $0x28000, s14  }
0x2d: {  	s15 =	sand.u32 $0x1, s12  }
0x2e: {  	_ =	swait.ge [sflag:s7], $0x50;
	s15 =	smul.u32 $0x140, s15;
	s14 =	sshrl.u32 s14, $0x2  }
0x2f: {  	s16 =	simm.s32 $0x0;
	[sflag:s7] =	ssyncset.done $0x0;
	s14 =	sor.u32 $0xA0, s14  }
0x30: {  	[sflag:s7] =	ssyncadd.s32 $0xFFFFFFB0;
	s15 =	sshrl.u32 s15, $0x2;
	s17 =	smov.u32 s14  }
.LBB2_3:
0x31: {  	s18 =	sshll.u32 s16, $0x4  }
0x32: {  	s18 =	sand.u32 $0x3FFFFFF0, s18  }
0x33: {  	s18 =	sadd.s32 s18, s15  }
0x34: {  	v0 =	vld.msk [tilespmem:s18+$0x0 ss:$0x1], $0xffff;
	_ =	sdelay $0x4  }
0x35: {  	vm2 =	vgt.s32 v0, $0x0  }
0x36: {  	v0 =	vnsel vm2, $0x0, v0  }
0x37: {  	v0 =	vmin.u32 v0, $0x1869F  }
0x38: {  	v1 =	vshll.u32 v0, $0x6;
	v0 =	vshll.u32 v0, $0x4  }
0x39: {  	v1 =	vand.u32 $0x7FFE00, v1;
	v0 =	vand.u32 $0x70, v0  }
0x3a: {  	v0 =	vor.u32 v0, v1;
	_ =	sdelay $0x3  }
0x3b: {  	s19 =	sadd.s32 $0x0, s17  }
0x3c: {  	[tilespmem:s19], [sflag:$0x1] =	stream.indirect_vreg.gather [hbm:s4], $0x80, v0, vm0, $0x38;
	[tilespmem:$0x140A0] =	vst v63  }
0x3d: {  	s18 =	simm.s32 $0x1000;
	v1 =	vadd.s32 $0x80, v0;
	s19 =	sadd.s32 $0x1000, s19  }
.LBB2_4:
0x3e: {  	[tilespmem:s19], [sflag:$0x1] =	stream.indirect_vreg.gather [hbm:s4], $0x80, v0, vm1, $0x38;
	[tilespmem:$0x140A0] =	vst v63  }
0x3f: {  	v0 =	vmov v1;
	s19 =	smov.u32 s18;
	p1 =	sne.s32 s18, $0x3000  }
.Ltmp3:
0x40: {  	s18 =	sadd.s32 $0x1000, s18;
	(pc) =	sbr.rel @p1 .LBB2_4-.Ltmp3, $4  }
0x41: {  	s19 =	sshra.s32 s19, $0x2  }
0x42: {  	s19 =	sadd.s32 s19, s17  }
0x43: {  	[tilespmem:s19], [sflag:$0x1] =	stream.indirect_vreg.gather [hbm:s4], $0x80, v1, vm0, $0x38;
	[tilespmem:$0x140A0] =	vst v63  }
0x44: {  	s19 =	sadd.s32 $0x1000, s19;
	v1 =	vadd.s32 $0x80, v1  }
0x45: {  	s16 =	sadd.s32 $0x1, s16  }
0x46: {  	p1 =	sne.s32 s16, $0x5  }
.Ltmp4:
0x47: {  	_ = 	snop;
	(pc) =	sbr.rel @p1 .LBB2_3-.Ltmp4, $3  }
0x48: {  	_ =	sdelay $0x1  }
0x49: {  	[tilespmem:s19], [sflag:$0x1] =	stream.indirect_vreg.gather [hbm:s4], $0x80, v0, vm1, $0x38;
	[tilespmem:$0x140A0] =	vst v63  }
0x4a: {  	s17 =	sadd.s32 $0x2000, s17  }
0x4b: {  	s15 =	sshll.u32 s13, $0x6  }
0x4c: {  	s31 =	sshll.u32 s13, $0x4;
	s15 =	sand.u32 $0xFFFFFE00, s15  }
0x4d: {  	_ =	swait.ge [sflag:s6], $0xA000;
	s13 =	sand.u32 $0x70, s31;
	s15 =	sadd.s32 s15, s9  }
0x4e: {  	s16 =	sadd.s32 $0x1000, s14;
	[sflag:s6] =	ssyncset.done $0x0;
	s13 =	sadd.s32 s13, s15  }
0x4f: {  	[sflag:s6] =	ssyncadd.s32 $0xFFFF6000;
	s15 =	simm.s32 $0x200;
	s17 =	sadd.s32 $0x0, s13  }
.LBB2_7:
0x50: {  	[hbm:s17] =	stream.linear.scatter [tilespmem:s14], [sflag:$0x3], $0x1000, $0x38;
	[tilespmem:$0x140A0] =	vst v63  }
0x51: {  	s17 =	smov.u32 s15;
	s14 =	smov.u32 s16;
	p1 =	sne.s32 s15, $0x1200  }
.Ltmp5:
0x52: {  	s15 =	sadd.s32 $0x200, s15;
	(pc) =	sbr.rel @p1 .LBB2_7-.Ltmp5, $2  }
0x53: {  	_ =	sdelay $0x2  }
0x54: {  	s16 =	sadd.s32 $0x1000, s16;
	s17 =	sadd.s32 s17, s13  }
.Ltmp6:
0x55: {  	(pc) =	sbr.rel .LBB2_9-.Ltmp6, $2  }
0x56: {  	_ =	sdelay $0x2  }
0x57: {  	[hbm:s17] =	stream.linear.scatter [tilespmem:s14], [sflag:$0x3], $0x1000, $0x38;
	[tilespmem:$0x140A0] =	vst v63  }
.LBB2_10:
0x58: {  	_ =	sfence.sel $0x180000  }
0x59: {  	s1 =	simm.s32 $0x2;
	[bflag:$0x0] =	sbarrier.arrive $0xFFFF  }
0x5a: {  	s30 =	simm.s32 $0x3;
	[sflag:s1] =	ssyncpa.u1 $0x1  }
0x5b: {  	s31 =	simm.s32 $0x1;
	[sflag:s30] =	ssyncpa.u1 $0x1  }
0x5c: {  	[sflag:s31] =	ssyncpa.u1 $0x1  }
0x5d: {  	p0 =	sne.s32 s0, $0x0;
	_ =	strace $0x90000047  }
0x5e: {  	s0 =	sadd.s32 @!p0 $0x100000, s2;
	[bflag:$0x2] =	sbarrier.arrive $0xFFFF  }
0x5f: {  	[sflag:s0] =	ssyncadd.tile.s32 @!p0 $0x1;
	_ =	shalt  }
.Lfunc_end2:
_tile_overlayer_lowered:
.L_overlay_start_2:
0x60: {  	(tag) =	ssettag $0x2  }
0x61: {  	s0 =	rddreg [dreg:$0x0];
	s2 =	stileid.u32  }
0x62: {  	s1 =	rddreg [dreg:$0x1];
	p0 =	sne.s32 s2, $0x0  }
0x63: {  	s3 =	rddreg [dreg:$0x2];
	[bflag:$0x3] =	sbarrier.arrive $0xFFFF;
	s2 =	simm.s32 @!p0 $0x1C01  }
0x64: {  	[timem:s3], [sflag:s2] =	dma.local @!p0 [hbm:s0], s1  }
0x65: {  	s0 =	simm.s32 @!p0 $0x1  }
0x66: {  	_ =	swait.ge @!p0 [sflag:s0], s1  }
0x67: {  	s1 =	ssub.s32 @!p0 $0x0, s1;
	[sflag:s0] =	ssyncset.done @!p0 $0x0  }
0x68: {  	[sflag:s0] =	ssyncadd.s32 @!p0 s1  }
0x69: {  	[bflag:$0x3] =	sbarrier.arrive $0xFFFF  }
0x6a: {  	_ =	shalt  }

</sc_bundles>
